<compile_context>
chip_gen: v7x
topology: tpu7x:2x2x1
jax: 0.10.2.dev20260603
libtpu: 0.0.44.dev20260713+nightly
codegen_flags: <defaults>
</compile_context>

<pallas_src>
import functools

import jax
import jax.numpy as jnp
from jax import lax
from jax.experimental import pallas as pl
from jax.experimental.pallas import tpu as pltpu
from jax.experimental.pallas import tpu_sc as plsc

_VOCAB = 100000
_EMBED = 64
_CTX = 200

_NC = 2
_NS = 16
_NW = _NC * _NS
_RPW = 8
_ACTIVE = _CTX // _RPW

_C = 8192
_NB = (_VOCAB + _C - 1) // _C


def _gather_sum_sc(x, W_emb):
  mesh = plsc.VectorSubcoreMesh(core_axis_name="c", subcore_axis_name="s")

  @functools.partial(
      pl.kernel,
      out_type=jax.ShapeDtypeStruct((_NW, _EMBED), jnp.float32),
      mesh=mesh,
      compiler_params=pltpu.CompilerParams(use_tc_tiling_on_sc=False),
      scratch_types=[
          pltpu.VMEM((_RPW,), jnp.int32),
          pltpu.VMEM((_RPW, _EMBED), jnp.float32),
          pltpu.VMEM((_EMBED,), jnp.float32),
          pltpu.SemaphoreType.DMA,
      ],
  )
  def k(w_hbm, x_hbm, out_hbm, idx_v, rows_v, acc_v, sem):
    wid = lax.axis_index("s") * _NC + lax.axis_index("c")

    @pl.when(wid < _ACTIVE)
    def _():
      pltpu.sync_copy(x_hbm.at[pl.ds(wid * _RPW, _RPW)], idx_v)
      pltpu.async_copy(w_hbm.at[idx_v], rows_v, sem).wait()
      for c in range(_EMBED // 16):
        s = rows_v[0, pl.ds(c * 16, 16)]
        for j in range(1, _RPW):
          s = s + rows_v[j, pl.ds(c * 16, 16)]
        acc_v[pl.ds(c * 16, 16)] = s

    @pl.when(wid >= _ACTIVE)
    def _():
      z = jnp.zeros((16,), jnp.float32)
      for c in range(_EMBED // 16):
        acc_v[pl.ds(c * 16, 16)] = z

    pltpu.sync_copy(acc_v, out_hbm.at[wid])

  return k(W_emb, x)


def _matvec_body(part_ref, w_ref, b_ref, h_ref, ctx_ref, m_ref, s_ref):
  i = pl.program_id(0)

  @pl.when(i == 0)
  def _():
    m_ref[0] = -jnp.inf
    s_ref[0] = 0.0

  v = jnp.sum(part_ref[...], axis=0, keepdims=True)
  t = lax.dot_general(v, w_ref[...], (((1,), (1,)), ((), ())),
                      preferred_element_type=jnp.float32)
  t = t + b_ref[...]
  col = i * _C + lax.broadcasted_iota(jnp.int32, (1, _C), 1)
  t = jnp.where(col < _VOCAB, t, -jnp.inf)
  h_ref[...] = t
  m_old = m_ref[0]
  m_new = jnp.maximum(m_old, jnp.max(t))
  s_new = s_ref[0] * jnp.exp(m_old - m_new) + jnp.sum(jnp.exp(t - m_new))
  m_ref[0] = m_new
  s_ref[0] = s_new
  ctx_ref[...] = jnp.broadcast_to(m_new + jnp.log(s_new), (1, 1))


def _matvec_logsumexp(partials, W_lin, b2, interpret=False):
  return pl.pallas_call(
      _matvec_body,
      grid=(_NB,),
      in_specs=[
          pl.BlockSpec((_NW, _EMBED), lambda i: (0, 0)),
          pl.BlockSpec((_C, _EMBED), lambda i: (i, 0)),
          pl.BlockSpec((1, _C), lambda i: (0, i)),
      ],
      out_specs=[
          pl.BlockSpec((1, _C), lambda i: (0, i)),
          pl.BlockSpec((1, 1), lambda i: (0, 0)),
      ],
      out_shape=[
          jax.ShapeDtypeStruct((1, _VOCAB), jnp.float32),
          jax.ShapeDtypeStruct((1, 1), jnp.float32),
      ],
      scratch_shapes=[
          pltpu.SMEM((1,), jnp.float32),
          pltpu.SMEM((1,), jnp.float32),
      ],
      interpret=interpret,
  )(partials, W_lin, b2)


def _normalize_body(h_ref, c_ref, o_ref):
  o_ref[...] = h_ref[...] - c_ref[0, 0]


def _normalize(h, ctx, interpret=False):
  return pl.pallas_call(
      _normalize_body,
      out_shape=jax.ShapeDtypeStruct((1, _VOCAB), jnp.float32),
      interpret=interpret,
  )(h, ctx)


def kernel(x, W_emb, W_lin, b_lin):
  x = x.astype(jnp.int32)
  partials = _gather_sum_sc(x, W_emb)
  h, ctx = _matvec_logsumexp(partials, W_lin, b_lin.reshape(1, _VOCAB))
  return _normalize(h, ctx)

# --- scband reference (transcript-rebuilt; emitter-appended) ---
"""Pipeline reference for scband-cbowmodel-57019985822423 (READ-ONLY COPY).

The authoritative reference and input builder live on the scoring server;
editing this copy changes nothing except your own understanding.
"""

import jax, jax.numpy as jnp
import numpy as np

VOCAB = 100000
EMBED = 64
CTX = 200

def setup_inputs(seed: int = 0) -> dict:
    key = jax.random.key(seed)
    k1, k2, k3 = jax.random.split(key, 3)
    x = jax.random.randint(k1, (CTX,), 0, VOCAB, dtype=jnp.int64) if jax.config.jax_enable_x64 else jax.random.randint(k1, (CTX,), 0, VOCAB, dtype=jnp.int32)
    W_emb = jax.random.normal(k2, (VOCAB, EMBED), dtype=jnp.float32) * 0.02
    W_lin = jax.random.normal(k3, (VOCAB, EMBED), dtype=jnp.float32) * 0.02
    b_lin = jnp.zeros((VOCAB,), dtype=jnp.float32)
    return {"x": x, "W_emb": W_emb, "W_lin": W_lin, "b_lin": b_lin}

def reference(x, W_emb, W_lin, b_lin):
    # v = Embedding(x): gather rows of the embedding table
    v = jnp.take(W_emb, x, axis=0)            # [CTX, EMBED]
    # sum over context positions (dim=0) then view(1, -1)
    v = jnp.sum(v, axis=0).reshape(1, -1)     # [1, EMBED]
    # Linear: y = v @ W^T + b  (torch Linear weight is [out, in])
    h = v @ W_lin.T + b_lin                   # [1, VOCAB]
    log_prob = jax.nn.log_softmax(h, axis=1)
    return log_prob

if __name__ == "__main__":
    import jax
    _d = setup_inputs()
    print(jax.jit(kernel)(*tuple(_d.values())))

</pallas_src>

<mosaic_0001>
#map = affine_map<(d0, d1) -> (0, 0)>
#map1 = affine_map<(d0, d1) -> (0)>
module attributes {stable_mosaic.version = 14 : i64} {
  func.func @k(%arg0: i32, %arg1: i32, %arg2: memref<100000x64xf32, #tpu.memory_space<hbm>>, %arg3: memref<200xi32, #tpu.memory_space<hbm>>, %arg4: memref<32x64xf32, #tpu.memory_space<hbm>>, %arg5: memref<8xi32, #tpu.memory_space<vmem>>, %arg6: memref<8x64xf32, #tpu.memory_space<vmem>>, %arg7: memref<64xf32, #tpu.memory_space<vmem>>, %arg8: memref<!tpu.dma_semaphore, #tpu.memory_space<semaphore_mem>>) attributes {dimension_semantics = [#tpu.dimension_semantics<core_parallel>, #tpu.dimension_semantics<subcore_parallel>], iteration_bounds = array<i64: 2, 16>, scalar_prefetch = 0 : i64, scratch_operands = 4 : i64, tpu.core_type = #tpu.core_type<sc_vector_subcore>, window_params = [{transform_indices = #map}, {transform_indices = #map1}, {transform_indices = #map}]} {
    %mul3A = arith.constant 2 : i32
    %mul3A_0 = arith.muli %arg1, %mul3A : i32
    %add3A = arith.addi %mul3A_0, %arg0 : i32
    %lt3A = arith.constant 25 : i32
    %lt3A_1 = arith.cmpi slt, %add3A, %lt3A : i32
    %convert_element_type3A = arith.extui %lt3A_1 : i1 to i32
    %cond3A = arith.constant 0 : i32
    %cond3A_2 = arith.cmpi ne, %convert_element_type3A, %cond3A : i32
    scf.if %cond3A_2 {
      %mul3A_7 = arith.constant 8 : i32
      %mul3A_8 = arith.muli %add3A, %mul3A_7 : i32
      "tpu.region"() ({
        %run_scoped3A = tpu.sem_alloc : memref<!tpu.dma_semaphore, #tpu.memory_space<semaphore_mem>>
        %dma_start3A_215 = tpu.memref_slice %arg3[%mul3A_8] : memref<200xi32, #tpu.memory_space<hbm>> -> memref<8xi32, #tpu.memory_space<hbm>>
        %dma_start3A_216 = tpu.memref_slice %arg3[%mul3A_8] : memref<200xi32, #tpu.memory_space<hbm>> -> memref<8xi32, #tpu.memory_space<hbm>>
        tpu.enqueue_dma source(%dma_start3A_216 : memref<8xi32, #tpu.memory_space<hbm>>) target(%arg5 : memref<8xi32, #tpu.memory_space<vmem>>) target_semaphore(%run_scoped3A : memref<!tpu.dma_semaphore, #tpu.memory_space<semaphore_mem>>)
        %dma_wait3A_217 = tpu.memref_slice %arg3[%mul3A_8] : memref<200xi32, #tpu.memory_space<hbm>> -> memref<8xi32, #tpu.memory_space<hbm>>
        %dma_wait3A_218 = tpu.memref_slice %arg3[%mul3A_8] : memref<200xi32, #tpu.memory_space<hbm>> -> memref<8xi32, #tpu.memory_space<hbm>>
        tpu.wait_dma2 semaphore(%run_scoped3A : memref<!tpu.dma_semaphore, #tpu.memory_space<semaphore_mem>>) src(%dma_wait3A_218 : memref<8xi32, #tpu.memory_space<hbm>>) dst(%arg5 : memref<8xi32, #tpu.memory_space<vmem>>)
        tpu.yield
      }) : () -> ()
      %dma_start3A = arith.constant 0 : i32
      %dma_start3A_9 = arith.constant 0 : i32
      %dma_start3A_10 = tpu.memref_slice %arg2[%dma_start3A, %dma_start3A_9] : memref<100000x64xf32, #tpu.memory_space<hbm>> -> memref<100000x64xf32, #tpu.memory_space<hbm>>
      tpu.enqueue_indirect_dma source(%dma_start3A_10 : memref<100000x64xf32, #tpu.memory_space<hbm>>) target(%arg6 : memref<8x64xf32, #tpu.memory_space<vmem>>) offsets(%arg5 : memref<8xi32, #tpu.memory_space<vmem>>) semaphore(%arg8 : memref<!tpu.dma_semaphore, #tpu.memory_space<semaphore_mem>>)
      %dma_wait3A = arith.constant 0 : i32
      %dma_wait3A_11 = arith.constant 0 : i32
      %dma_wait3A_12 = tpu.memref_slice %arg2[%dma_wait3A, %dma_wait3A_11] : memref<100000x64xf32, #tpu.memory_space<hbm>> -> memref<100000x64xf32, #tpu.memory_space<hbm>>
      tpu.wait_indirect_dma semaphore(%arg8 : memref<!tpu.dma_semaphore, #tpu.memory_space<semaphore_mem>>) src(%dma_wait3A_12 : memref<100000x64xf32, #tpu.memory_space<hbm>>) dst(%arg6 : memref<8x64xf32, #tpu.memory_space<vmem>>)
      %get3A = arith.constant 0 : i32
      %get3A_13 = arith.index_cast %get3A : i32 to index
      %get3A_14 = arith.constant 0 : index
      %get3A_15 = tpu.vector_load %arg6[%get3A_13, %get3A_14] {strides = array<i32>} : memref<8x64xf32, #tpu.memory_space<vmem>>, vector<1x16xf32>,
      %get3A_16 = vector.shape_cast %get3A_15 : vector<1x16xf32> to vector<16xf32>
      %get3A_17 = arith.constant 1 : i32
      %get3A_18 = arith.index_cast %get3A_17 : i32 to index
      %get3A_19 = arith.constant 0 : index
      %get3A_20 = tpu.vector_load %arg6[%get3A_18, %get3A_19] {strides = array<i32>} : memref<8x64xf32, #tpu.memory_space<vmem>>, vector<1x16xf32>,
      %get3A_21 = vector.shape_cast %get3A_20 : vector<1x16xf32> to vector<16xf32>
      %add3A_22 = arith.addf %get3A_16, %get3A_21 : vector<16xf32>
      %get3A_23 = arith.constant 2 : i32
      %get3A_24 = arith.index_cast %get3A_23 : i32 to index
      %get3A_25 = arith.constant 0 : index
      %get3A_26 = tpu.vector_load %arg6[%get3A_24, %get3A_25] {strides = array<i32>} : memref<8x64xf32, #tpu.memory_space<vmem>>, vector<1x16xf32>,
      %get3A_27 = vector.shape_cast %get3A_26 : vector<1x16xf32> to vector<16xf32>
      %add3A_28 = arith.addf %add3A_22, %get3A_27 : vector<16xf32>
      %get3A_29 = arith.constant 3 : i32
      %get3A_30 = arith.index_cast %get3A_29 : i32 to index
      %get3A_31 = arith.constant 0 : index
      %get3A_32 = tpu.vector_load %arg6[%get3A_30, %get3A_31] {strides = array<i32>} : memref<8x64xf32, #tpu.memory_space<vmem>>, vector<1x16xf32>,
      %get3A_33 = vector.shape_cast %get3A_32 : vector<1x16xf32> to vector<16xf32>
      %add3A_34 = arith.addf %add3A_28, %get3A_33 : vector<16xf32>
      %get3A_35 = arith.constant 4 : i32
      %get3A_36 = arith.index_cast %get3A_35 : i32 to index
      %get3A_37 = arith.constant 0 : index
      %get3A_38 = tpu.vector_load %arg6[%get3A_36, %get3A_37] {strides = array<i32>} : memref<8x64xf32, #tpu.memory_space<vmem>>, vector<1x16xf32>,
      %get3A_39 = vector.shape_cast %get3A_38 : vector<1x16xf32> to vector<16xf32>
      %add3A_40 = arith.addf %add3A_34, %get3A_39 : vector<16xf32>
      %get3A_41 = arith.constant 5 : i32
      %get3A_42 = arith.index_cast %get3A_41 : i32 to index
      %get3A_43 = arith.constant 0 : index
      %get3A_44 = tpu.vector_load %arg6[%get3A_42, %get3A_43] {strides = array<i32>} : memref<8x64xf32, #tpu.memory_space<vmem>>, vector<1x16xf32>,
      %get3A_45 = vector.shape_cast %get3A_44 : vector<1x16xf32> to vector<16xf32>
      %add3A_46 = arith.addf %add3A_40, %get3A_45 : vector<16xf32>
      %get3A_47 = arith.constant 6 : i32
      %get3A_48 = arith.index_cast %get3A_47 : i32 to index
      %get3A_49 = arith.constant 0 : index
      %get3A_50 = tpu.vector_load %arg6[%get3A_48, %get3A_49] {strides = array<i32>} : memref<8x64xf32, #tpu.memory_space<vmem>>, vector<1x16xf32>,
      %get3A_51 = vector.shape_cast %get3A_50 : vector<1x16xf32> to vector<16xf32>
      %add3A_52 = arith.addf %add3A_46, %get3A_51 : vector<16xf32>
      %get3A_53 = arith.constant 7 : i32
      %get3A_54 = arith.index_cast %get3A_53 : i32 to index
      %get3A_55 = arith.constant 0 : index
      %get3A_56 = tpu.vector_load %arg6[%get3A_54, %get3A_55] {strides = array<i32>} : memref<8x64xf32, #tpu.memory_space<vmem>>, vector<1x16xf32>,
      %get3A_57 = vector.shape_cast %get3A_56 : vector<1x16xf32> to vector<16xf32>
      %add3A_58 = arith.addf %add3A_52, %get3A_57 : vector<16xf32>
      %swap3A = arith.constant 0 : index
      %swap3A_59 = tpu.vector_load %arg7[%swap3A] {strides = array<i32>} : memref<64xf32, #tpu.memory_space<vmem>>, vector<16xf32>,
      %swap3A_60 = vector.shape_cast %swap3A_59 : vector<16xf32> to vector<16xf32>
      %swap3A_61 = vector.shape_cast %add3A_58 : vector<16xf32> to vector<16xf32>
      tpu.vector_store %arg7[%swap3A], %swap3A_61 {strides = array<i32>} : memref<64xf32, #tpu.memory_space<vmem>>, vector<16xf32>,
      %get3A_62 = arith.constant 0 : i32
      %get3A_63 = arith.index_cast %get3A_62 : i32 to index
      %get3A_64 = arith.constant 16 : index
      %get3A_65 = tpu.vector_load %arg6[%get3A_63, %get3A_64] {strides = array<i32>} : memref<8x64xf32, #tpu.memory_space<vmem>>, vector<1x16xf32>,
      %get3A_66 = vector.shape_cast %get3A_65 : vector<1x16xf32> to vector<16xf32>
      %get3A_67 = arith.constant 1 : i32
      %get3A_68 = arith.index_cast %get3A_67 : i32 to index
      %get3A_69 = arith.constant 16 : index
      %get3A_70 = tpu.vector_load %arg6[%get3A_68, %get3A_69] {strides = array<i32>} : memref<8x64xf32, #tpu.memory_space<vmem>>, vector<1x16xf32>,
      %get3A_71 = vector.shape_cast %get3A_70 : vector<1x16xf32> to vector<16xf32>
      %add3A_72 = arith.addf %get3A_66, %get3A_71 : vector<16xf32>
      %get3A_73 = arith.constant 2 : i32
      %get3A_74 = arith.index_cast %get3A_73 : i32 to index
      %get3A_75 = arith.constant 16 : index
      %get3A_76 = tpu.vector_load %arg6[%get3A_74, %get3A_75] {strides = array<i32>} : memref<8x64xf32, #tpu.memory_space<vmem>>, vector<1x16xf32>,
      %get3A_77 = vector.shape_cast %get3A_76 : vector<1x16xf32> to vector<16xf32>
      %add3A_78 = arith.addf %add3A_72, %get3A_77 : vector<16xf32>
      %get3A_79 = arith.constant 3 : i32
      %get3A_80 = arith.index_cast %get3A_79 : i32 to index
      %get3A_81 = arith.constant 16 : index
      %get3A_82 = tpu.vector_load %arg6[%get3A_80, %get3A_81] {strides = array<i32>} : memref<8x64xf32, #tpu.memory_space<vmem>>, vector<1x16xf32>,
      %get3A_83 = vector.shape_cast %get3A_82 : vector<1x16xf32> to vector<16xf32>
      %add3A_84 = arith.addf %add3A_78, %get3A_83 : vector<16xf32>
      %get3A_85 = arith.constant 4 : i32
      %get3A_86 = arith.index_cast %get3A_85 : i32 to index
      %get3A_87 = arith.constant 16 : index
      %get3A_88 = tpu.vector_load %arg6[%get3A_86, %get3A_87] {strides = array<i32>} : memref<8x64xf32, #tpu.memory_space<vmem>>, vector<1x16xf32>,
      %get3A_89 = vector.shape_cast %get3A_88 : vector<1x16xf32> to vector<16xf32>
      %add3A_90 = arith.addf %add3A_84, %get3A_89 : vector<16xf32>
      %get3A_91 = arith.constant 5 : i32
      %get3A_92 = arith.index_cast %get3A_91 : i32 to index
      %get3A_93 = arith.constant 16 : index
      %get3A_94 = tpu.vector_load %arg6[%get3A_92, %get3A_93] {strides = array<i32>} : memref<8x64xf32, #tpu.memory_space<vmem>>, vector<1x16xf32>,
      %get3A_95 = vector.shape_cast %get3A_94 : vector<1x16xf32> to vector<16xf32>
      %add3A_96 = arith.addf %add3A_90, %get3A_95 : vector<16xf32>
      %get3A_97 = arith.constant 6 : i32
      %get3A_98 = arith.index_cast %get3A_97 : i32 to index
      %get3A_99 = arith.constant 16 : index
      %get3A_100 = tpu.vector_load %arg6[%get3A_98, %get3A_99] {strides = array<i32>} : memref<8x64xf32, #tpu.memory_space<vmem>>, vector<1x16xf32>,
      %get3A_101 = vector.shape_cast %get3A_100 : vector<1x16xf32> to vector<16xf32>
      %add3A_102 = arith.addf %add3A_96, %get3A_101 : vector<16xf32>
      %get3A_103 = arith.constant 7 : i32
      %get3A_104 = arith.index_cast %get3A_103 : i32 to index
      %get3A_105 = arith.constant 16 : index
      %get3A_106 = tpu.vector_load %arg6[%get3A_104, %get3A_105] {strides = array<i32>} : memref<8x64xf32, #tpu.memory_space<vmem>>, vector<1x16xf32>,
      %get3A_107 = vector.shape_cast %get3A_106 : vector<1x16xf32> to vector<16xf32>
      %add3A_108 = arith.addf %add3A_102, %get3A_107 : vector<16xf32>
      %swap3A_109 = arith.constant 16 : index
      %swap3A_110 = tpu.vector_load %arg7[%swap3A_109] {strides = array<i32>} : memref<64xf32, #tpu.memory_space<vmem>>, vector<16xf32>,
      %swap3A_111 = vector.shape_cast %swap3A_110 : vector<16xf32> to vector<16xf32>
      %swap3A_112 = vector.shape_cast %add3A_108 : vector<16xf32> to vector<16xf32>
      tpu.vector_store %arg7[%swap3A_109], %swap3A_112 {strides = array<i32>} : memref<64xf32, #tpu.memory_space<vmem>>, vector<16xf32>,
      %get3A_113 = arith.constant 0 : i32
      %get3A_114 = arith.index_cast %get3A_113 : i32 to index
      %get3A_115 = arith.constant 32 : index
      %get3A_116 = tpu.vector_load %arg6[%get3A_114, %get3A_115] {strides = array<i32>} : memref<8x64xf32, #tpu.memory_space<vmem>>, vector<1x16xf32>,
      %get3A_117 = vector.shape_cast %get3A_116 : vector<1x16xf32> to vector<16xf32>
      %get3A_118 = arith.constant 1 : i32
      %get3A_119 = arith.index_cast %get3A_118 : i32 to index
      %get3A_120 = arith.constant 32 : index
      %get3A_121 = tpu.vector_load %arg6[%get3A_119, %get3A_120] {strides = array<i32>} : memref<8x64xf32, #tpu.memory_space<vmem>>, vector<1x16xf32>,
      %get3A_122 = vector.shape_cast %get3A_121 : vector<1x16xf32> to vector<16xf32>
      %add3A_123 = arith.addf %get3A_117, %get3A_122 : vector<16xf32>
      %get3A_124 = arith.constant 2 : i32
      %get3A_125 = arith.index_cast %get3A_124 : i32 to index
      %get3A_126 = arith.constant 32 : index
      %get3A_127 = tpu.vector_load %arg6[%get3A_125, %get3A_126] {strides = array<i32>} : memref<8x64xf32, #tpu.memory_space<vmem>>, vector<1x16xf32>,
      %get3A_128 = vector.shape_cast %get3A_127 : vector<1x16xf32> to vector<16xf32>
      %add3A_129 = arith.addf %add3A_123, %get3A_128 : vector<16xf32>
      %get3A_130 = arith.constant 3 : i32
      %get3A_131 = arith.index_cast %get3A_130 : i32 to index
      %get3A_132 = arith.constant 32 : index
      %get3A_133 = tpu.vector_load %arg6[%get3A_131, %get3A_132] {strides = array<i32>} : memref<8x64xf32, #tpu.memory_space<vmem>>, vector<1x16xf32>,
      %get3A_134 = vector.shape_cast %get3A_133 : vector<1x16xf32> to vector<16xf32>
      %add3A_135 = arith.addf %add3A_129, %get3A_134 : vector<16xf32>
      %get3A_136 = arith.constant 4 : i32
      %get3A_137 = arith.index_cast %get3A_136 : i32 to index
      %get3A_138 = arith.constant 32 : index
      %get3A_139 = tpu.vector_load %arg6[%get3A_137, %get3A_138] {strides = array<i32>} : memref<8x64xf32, #tpu.memory_space<vmem>>, vector<1x16xf32>,
      %get3A_140 = vector.shape_cast %get3A_139 : vector<1x16xf32> to vector<16xf32>
      %add3A_141 = arith.addf %add3A_135, %get3A_140 : vector<16xf32>
      %get3A_142 = arith.constant 5 : i32
      %get3A_143 = arith.index_cast %get3A_142 : i32 to index
      %get3A_144 = arith.constant 32 : index
      %get3A_145 = tpu.vector_load %arg6[%get3A_143, %get3A_144] {strides = array<i32>} : memref<8x64xf32, #tpu.memory_space<vmem>>, vector<1x16xf32>,
      %get3A_146 = vector.shape_cast %get3A_145 : vector<1x16xf32> to vector<16xf32>
      %add3A_147 = arith.addf %add3A_141, %get3A_146 : vector<16xf32>
      %get3A_148 = arith.constant 6 : i32
      %get3A_149 = arith.index_cast %get3A_148 : i32 to index
      %get3A_150 = arith.constant 32 : index
      %get3A_151 = tpu.vector_load %arg6[%get3A_149, %get3A_150] {strides = array<i32>} : memref<8x64xf32, #tpu.memory_space<vmem>>, vector<1x16xf32>,
      %get3A_152 = vector.shape_cast %get3A_151 : vector<1x16xf32> to vector<16xf32>
      %add3A_153 = arith.addf %add3A_147, %get3A_152 : vector<16xf32>
      %get3A_154 = arith.constant 7 : i32
      %get3A_155 = arith.index_cast %get3A_154 : i32 to index
      %get3A_156 = arith.constant 32 : index
      %get3A_157 = tpu.vector_load %arg6[%get3A_155, %get3A_156] {strides = array<i32>} : memref<8x64xf32, #tpu.memory_space<vmem>>, vector<1x16xf32>,
      %get3A_158 = vector.shape_cast %get3A_157 : vector<1x16xf32> to vector<16xf32>
      %add3A_159 = arith.addf %add3A_153, %get3A_158 : vector<16xf32>
      %swap3A_160 = arith.constant 32 : index
      %swap3A_161 = tpu.vector_load %arg7[%swap3A_160] {strides = array<i32>} : memref<64xf32, #tpu.memory_space<vmem>>, vector<16xf32>,
      %swap3A_162 = vector.shape_cast %swap3A_161 : vector<16xf32> to vector<16xf32>
      %swap3A_163 = vector.shape_cast %add3A_159 : vector<16xf32> to vector<16xf32>
      tpu.vector_store %arg7[%swap3A_160], %swap3A_163 {strides = array<i32>} : memref<64xf32, #tpu.memory_space<vmem>>, vector<16xf32>,
      %get3A_164 = arith.constant 0 : i32
      %get3A_165 = arith.index_cast %get3A_164 : i32 to index
      %get3A_166 = arith.constant 48 : index
      %get3A_167 = tpu.vector_load %arg6[%get3A_165, %get3A_166] {strides = array<i32>} : memref<8x64xf32, #tpu.memory_space<vmem>>, vector<1x16xf32>,
      %get3A_168 = vector.shape_cast %get3A_167 : vector<1x16xf32> to vector<16xf32>
      %get3A_169 = arith.constant 1 : i32
      %get3A_170 = arith.index_cast %get3A_169 : i32 to index
      %get3A_171 = arith.constant 48 : index
      %get3A_172 = tpu.vector_load %arg6[%get3A_170, %get3A_171] {strides = array<i32>} : memref<8x64xf32, #tpu.memory_space<vmem>>, vector<1x16xf32>,
      %get3A_173 = vector.shape_cast %get3A_172 : vector<1x16xf32> to vector<16xf32>
      %add3A_174 = arith.addf %get3A_168, %get3A_173 : vector<16xf32>
      %get3A_175 = arith.constant 2 : i32
      %get3A_176 = arith.index_cast %get3A_175 : i32 to index
      %get3A_177 = arith.constant 48 : index
      %get3A_178 = tpu.vector_load %arg6[%get3A_176, %get3A_177] {strides = array<i32>} : memref<8x64xf32, #tpu.memory_space<vmem>>, vector<1x16xf32>,
      %get3A_179 = vector.shape_cast %get3A_178 : vector<1x16xf32> to vector<16xf32>
      %add3A_180 = arith.addf %add3A_174, %get3A_179 : vector<16xf32>
      %get3A_181 = arith.constant 3 : i32
      %get3A_182 = arith.index_cast %get3A_181 : i32 to index
      %get3A_183 = arith.constant 48 : index
      %get3A_184 = tpu.vector_load %arg6[%get3A_182, %get3A_183] {strides = array<i32>} : memref<8x64xf32, #tpu.memory_space<vmem>>, vector<1x16xf32>,
      %get3A_185 = vector.shape_cast %get3A_184 : vector<1x16xf32> to vector<16xf32>
      %add3A_186 = arith.addf %add3A_180, %get3A_185 : vector<16xf32>
      %get3A_187 = arith.constant 4 : i32
      %get3A_188 = arith.index_cast %get3A_187 : i32 to index
      %get3A_189 = arith.constant 48 : index
      %get3A_190 = tpu.vector_load %arg6[%get3A_188, %get3A_189] {strides = array<i32>} : memref<8x64xf32, #tpu.memory_space<vmem>>, vector<1x16xf32>,
      %get3A_191 = vector.shape_cast %get3A_190 : vector<1x16xf32> to vector<16xf32>
      %add3A_192 = arith.addf %add3A_186, %get3A_191 : vector<16xf32>
      %get3A_193 = arith.constant 5 : i32
      %get3A_194 = arith.index_cast %get3A_193 : i32 to index
      %get3A_195 = arith.constant 48 : index
      %get3A_196 = tpu.vector_load %arg6[%get3A_194, %get3A_195] {strides = array<i32>} : memref<8x64xf32, #tpu.memory_space<vmem>>, vector<1x16xf32>,
      %get3A_197 = vector.shape_cast %get3A_196 : vector<1x16xf32> to vector<16xf32>
      %add3A_198 = arith.addf %add3A_192, %get3A_197 : vector<16xf32>
      %get3A_199 = arith.constant 6 : i32
      %get3A_200 = arith.index_cast %get3A_199 : i32 to index
      %get3A_201 = arith.constant 48 : index
      %get3A_202 = tpu.vector_load %arg6[%get3A_200, %get3A_201] {strides = array<i32>} : memref<8x64xf32, #tpu.memory_space<vmem>>, vector<1x16xf32>,
      %get3A_203 = vector.shape_cast %get3A_202 : vector<1x16xf32> to vector<16xf32>
      %add3A_204 = arith.addf %add3A_198, %get3A_203 : vector<16xf32>
      %get3A_205 = arith.constant 7 : i32
      %get3A_206 = arith.index_cast %get3A_205 : i32 to index
      %get3A_207 = arith.constant 48 : index
      %get3A_208 = tpu.vector_load %arg6[%get3A_206, %get3A_207] {strides = array<i32>} : memref<8x64xf32, #tpu.memory_space<vmem>>, vector<1x16xf32>,
      %get3A_209 = vector.shape_cast %get3A_208 : vector<1x16xf32> to vector<16xf32>
      %add3A_210 = arith.addf %add3A_204, %get3A_209 : vector<16xf32>
      %swap3A_211 = arith.constant 48 : index
      %swap3A_212 = tpu.vector_load %arg7[%swap3A_211] {strides = array<i32>} : memref<64xf32, #tpu.memory_space<vmem>>, vector<16xf32>,
      %swap3A_213 = vector.shape_cast %swap3A_212 : vector<16xf32> to vector<16xf32>
      %swap3A_214 = vector.shape_cast %add3A_210 : vector<16xf32> to vector<16xf32>
      tpu.vector_store %arg7[%swap3A_211], %swap3A_214 {strides = array<i32>} : memref<64xf32, #tpu.memory_space<vmem>>, vector<16xf32>,
    } else {
    }
    %ge3A = arith.constant 25 : i32
    %ge3A_3 = arith.cmpi sge, %add3A, %ge3A : i32
    %convert_element_type3A_4 = arith.extui %ge3A_3 : i1 to i32
    %cond3A_5 = arith.constant 0 : i32
    %cond3A_6 = arith.cmpi ne, %convert_element_type3A_4, %cond3A_5 : i32
    scf.if %cond3A_6 {
      %broadcast_in_dim3A = arith.constant 0.000000e+00 : f32
      %broadcast_in_dim3A_7 = vector.broadcast %broadcast_in_dim3A : f32 to vector<16xf32>
      %swap3A = arith.constant 0 : index
      %swap3A_8 = tpu.vector_load %arg7[%swap3A] {strides = array<i32>} : memref<64xf32, #tpu.memory_space<vmem>>, vector<16xf32>,
      %swap3A_9 = vector.shape_cast %swap3A_8 : vector<16xf32> to vector<16xf32>
      %swap3A_10 = vector.shape_cast %broadcast_in_dim3A_7 : vector<16xf32> to vector<16xf32>
      tpu.vector_store %arg7[%swap3A], %swap3A_10 {strides = array<i32>} : memref<64xf32, #tpu.memory_space<vmem>>, vector<16xf32>,
      %swap3A_11 = arith.constant 16 : index
      %swap3A_12 = tpu.vector_load %arg7[%swap3A_11] {strides = array<i32>} : memref<64xf32, #tpu.memory_space<vmem>>, vector<16xf32>,
      %swap3A_13 = vector.shape_cast %swap3A_12 : vector<16xf32> to vector<16xf32>
      %swap3A_14 = vector.shape_cast %broadcast_in_dim3A_7 : vector<16xf32> to vector<16xf32>
      tpu.vector_store %arg7[%swap3A_11], %swap3A_14 {strides = array<i32>} : memref<64xf32, #tpu.memory_space<vmem>>, vector<16xf32>,
      %swap3A_15 = arith.constant 32 : index
      %swap3A_16 = tpu.vector_load %arg7[%swap3A_15] {strides = array<i32>} : memref<64xf32, #tpu.memory_space<vmem>>, vector<16xf32>,
      %swap3A_17 = vector.shape_cast %swap3A_16 : vector<16xf32> to vector<16xf32>
      %swap3A_18 = vector.shape_cast %broadcast_in_dim3A_7 : vector<16xf32> to vector<16xf32>
      tpu.vector_store %arg7[%swap3A_15], %swap3A_18 {strides = array<i32>} : memref<64xf32, #tpu.memory_space<vmem>>, vector<16xf32>,
      %swap3A_19 = arith.constant 48 : index
      %swap3A_20 = tpu.vector_load %arg7[%swap3A_19] {strides = array<i32>} : memref<64xf32, #tpu.memory_space<vmem>>, vector<16xf32>,
      %swap3A_21 = vector.shape_cast %swap3A_20 : vector<16xf32> to vector<16xf32>
      %swap3A_22 = vector.shape_cast %broadcast_in_dim3A_7 : vector<16xf32> to vector<16xf32>
      tpu.vector_store %arg7[%swap3A_19], %swap3A_22 {strides = array<i32>} : memref<64xf32, #tpu.memory_space<vmem>>, vector<16xf32>,
    } else {
    }
    "tpu.region"() ({
      %run_scoped3A = tpu.sem_alloc : memref<!tpu.dma_semaphore, #tpu.memory_space<semaphore_mem>>
      %dma_start3A = arith.constant 0 : i32
      %dma_start3A_7 = tpu.memref_slice %arg4[%add3A, %dma_start3A] : memref<32x64xf32, #tpu.memory_space<hbm>> -> memref<1x64xf32, #tpu.memory_space<hbm>>
      %dma_start3A_8 = tpu.memref_squeeze %dma_start3A_7 : memref<1x64xf32, #tpu.memory_space<hbm>> -> memref<64xf32, #tpu.memory_space<hbm>>
      %dma_start3A_9 = arith.constant 0 : i32
      %dma_start3A_10 = tpu.memref_slice %arg4[%add3A, %dma_start3A_9] : memref<32x64xf32, #tpu.memory_space<hbm>> -> memref<1x64xf32, #tpu.memory_space<hbm>>
      %dma_start3A_11 = tpu.memref_squeeze %dma_start3A_10 : memref<1x64xf32, #tpu.memory_space<hbm>> -> memref<64xf32, #tpu.memory_space<hbm>>
      tpu.enqueue_dma source(%arg7 : memref<64xf32, #tpu.memory_space<vmem>>) target(%dma_start3A_11 : memref<64xf32, #tpu.memory_space<hbm>>) target_semaphore(%run_scoped3A : memref<!tpu.dma_semaphore, #tpu.memory_space<semaphore_mem>>)
      %dma_wait3A = arith.constant 0 : i32
      %dma_wait3A_12 = tpu.memref_slice %arg4[%add3A, %dma_wait3A] : memref<32x64xf32, #tpu.memory_space<hbm>> -> memref<1x64xf32, #tpu.memory_space<hbm>>
      %dma_wait3A_13 = tpu.memref_squeeze %dma_wait3A_12 : memref<1x64xf32, #tpu.memory_space<hbm>> -> memref<64xf32, #tpu.memory_space<hbm>>
      %dma_wait3A_14 = arith.constant 0 : i32
      %dma_wait3A_15 = tpu.memref_slice %arg4[%add3A, %dma_wait3A_14] : memref<32x64xf32, #tpu.memory_space<hbm>> -> memref<1x64xf32, #tpu.memory_space<hbm>>
      %dma_wait3A_16 = tpu.memref_squeeze %dma_wait3A_15 : memref<1x64xf32, #tpu.memory_space<hbm>> -> memref<64xf32, #tpu.memory_space<hbm>>
      tpu.wait_dma2 semaphore(%run_scoped3A : memref<!tpu.dma_semaphore, #tpu.memory_space<semaphore_mem>>) src(%arg7 : memref<64xf32, #tpu.memory_space<vmem>>) dst(%dma_wait3A_16 : memref<64xf32, #tpu.memory_space<hbm>>)
      tpu.yield
    }) : () -> ()
    return
  }
}

module attributes {stable_mosaic.version = 14 : i64} {
  func.func @_matvec_body(%arg0: i32, %arg1: memref<32x64xf32, #tpu.memory_space<vmem>>, %arg2: memref<8192x64xf32, #tpu.memory_space<vmem>>, %arg3: memref<1x8192xf32, #tpu.memory_space<vmem>>, %arg4: memref<1x8192xf32, #tpu.memory_space<vmem>>, %arg5: memref<1x1xf32, #tpu.memory_space<vmem>>, %arg6: memref<1xf32, #tpu.memory_space<smem>>, %arg7: memref<1xf32, #tpu.memory_space<smem>>) attributes {dimension_semantics = [#tpu.dimension_semantics<arbitrary>], iteration_bounds = array<i64: 13>, scalar_prefetch = 0 : i64, scratch_operands = 2 : i64, tpu.core_type = #tpu.core_type<tc>, window_params = [{pipeline_mode = #tpu.pipeline_mode<synchronous>, transform_indices = @transform_0, window_bounds = array<i64: 32, 64>}, {transform_indices = @transform_1, window_bounds = array<i64: 8192, 64>}, {transform_indices = @transform_2, window_bounds = array<i64: 1, 8192>}, {transform_indices = @transform_3, window_bounds = array<i64: 1, 8192>}, {pipeline_mode = #tpu.pipeline_mode<synchronous>, transform_indices = @transform_4, window_bounds = array<i64: 1, 1>}]} {
    %eq3A = arith.constant 0 : i32
    %eq3A_0 = arith.cmpi eq, %arg0, %eq3A : i32
    %convert_element_type3A = arith.extui %eq3A_0 : i1 to i32
    %cond3A = arith.constant 0 : i32
    %cond3A_1 = arith.cmpi ne, %convert_element_type3A, %cond3A : i32
    scf.if %cond3A_1 {
      %swap3A_47 = arith.constant 0xFF800000 : f32
      %swap3A_48 = arith.constant 0 : index
      %swap3A_49 = memref.load %arg6[%swap3A_48] : memref<1xf32, #tpu.memory_space<smem>>
      memref.store %swap3A_47, %arg6[%swap3A_48] : memref<1xf32, #tpu.memory_space<smem>>
      %swap3A_50 = arith.constant 0.000000e+00 : f32
      %swap3A_51 = arith.constant 0 : index
      %swap3A_52 = memref.load %arg7[%swap3A_51] : memref<1xf32, #tpu.memory_space<smem>>
      memref.store %swap3A_50, %arg7[%swap3A_51] : memref<1xf32, #tpu.memory_space<smem>>
    } else {
    }
    %get3A = arith.constant 0 : index
    %get3A_2 = arith.constant 0 : index
    %get3A_3 = vector.load %arg1[%get3A, %get3A_2] : memref<32x64xf32, #tpu.memory_space<vmem>>, vector<32x64xf32>
    %reduce_sum3A = arith.constant dense<0.000000e+00> : vector<64xf32>
    %reduce_sum3A_4 = vector.multi_reduction <add>, %get3A_3, %reduce_sum3A [0] : vector<32x64xf32> to vector<64xf32>
    %broadcast_in_dim3A = vector.shape_cast %reduce_sum3A_4 : vector<64xf32> to vector<1x64xf32>
    %get3A_5 = arith.constant 0 : index
    %get3A_6 = arith.constant 0 : index
    %get3A_7 = vector.load %arg2[%get3A_5, %get3A_6] : memref<8192x64xf32, #tpu.memory_space<vmem>>, vector<8192x64xf32>
    %dot_general3A = arith.constant dense<0.000000e+00> : vector<1x8192xf32>
    %dot_general3A_8 = tpu.matmul %broadcast_in_dim3A, %get3A_7, %dot_general3A {dimension_numbers = #tpu.dot_dimension_numbers<[1], [1], [0], [0], [0, 0, 1, 0], [], []>, transpose_lhs_hint = false} : vector<1x64xf32>, vector<8192x64xf32>, vector<1x8192xf32> -> vector<1x8192xf32>
    %get3A_9 = arith.constant 0 : index
    %get3A_10 = arith.constant 0 : index
    %get3A_11 = vector.load %arg3[%get3A_9, %get3A_10] : memref<1x8192xf32, #tpu.memory_space<vmem>>, vector<1x8192xf32>
    %add3A = arith.addf %dot_general3A_8, %get3A_11 : vector<1x8192xf32>
    %mul3A = arith.constant 8192 : i32
    %mul3A_12 = arith.muli %arg0, %mul3A : i32
    %iota3A = tpu.iota {dimensions = array<i32: 1>} : vector<1x8192xi32>
    %add3A_13 = vector.broadcast %mul3A_12 : i32 to vector<1x8192xi32>
    %add3A_14 = arith.addi %add3A_13, %iota3A : vector<1x8192xi32>
    %lt3A = arith.constant 100000 : i32
    %lt3A_15 = vector.broadcast %lt3A : i32 to vector<1x8192xi32>
    %lt3A_16 = arith.cmpi slt, %add3A_14, %lt3A_15 : vector<1x8192xi32>
    %jit3A = arith.constant 0xFF800000 : f32
    %broadcast_in_dim3A_17 = vector.broadcast %jit3A : f32 to vector<1x8192xf32>
    %select_n3A = arith.select %lt3A_16, %add3A, %broadcast_in_dim3A_17 : vector<1x8192xi1>, vector<1x8192xf32>
    %swap3A = arith.constant 0 : index
    %swap3A_18 = arith.constant 0 : index
    %swap3A_19 = vector.load %arg4[%swap3A, %swap3A_18] : memref<1x8192xf32, #tpu.memory_space<vmem>>, vector<1x8192xf32>
    tpu.vector_store %arg4[%swap3A, %swap3A_18], %select_n3A {strides = array<i32>} : memref<1x8192xf32, #tpu.memory_space<vmem>>, vector<1x8192xf32>,
    %get3A_20 = arith.constant 0 : index
    %get3A_21 = memref.load %arg6[%get3A_20] : memref<1xf32, #tpu.memory_space<smem>>
    %reduce_max3A = vector.shape_cast %select_n3A : vector<1x8192xf32> to vector<1x1x8192xf32>
    %reduce_max3A_22 = arith.constant dense<0xFF800000> : vector<1xf32>
    %reduce_max3A_23 = vector.multi_reduction <maximumf>, %reduce_max3A, %reduce_max3A_22 [1, 2] : vector<1x1x8192xf32> to vector<1xf32>
    %reduce_max3A_24 = vector.shape_cast %reduce_max3A_23 : vector<1xf32> to vector<1x1x1xf32>
    %reduce_max3A_25 = vector.extract %reduce_max3A_24[0, 0, 0] : f32 from vector<1x1x1xf32>
    %max3A = arith.maximumf %get3A_21, %reduce_max3A_25 : f32
    %get3A_26 = arith.constant 0 : index
    %get3A_27 = memref.load %arg7[%get3A_26] : memref<1xf32, #tpu.memory_space<smem>>
    %sub3A = arith.subf %get3A_21, %max3A : f32
    %exp3A = math.exp %sub3A : f32
    %mul3A_28 = arith.mulf %get3A_27, %exp3A : f32
    %sub3A_29 = vector.broadcast %max3A : f32 to vector<1x8192xf32>
    %sub3A_30 = arith.subf %select_n3A, %sub3A_29 : vector<1x8192xf32>
    %exp3A_31 = math.exp %sub3A_30 : vector<1x8192xf32>
    %reduce_sum3A_32 = vector.shape_cast %exp3A_31 : vector<1x8192xf32> to vector<1x1x8192xf32>
    %reduce_sum3A_33 = arith.constant dense<0.000000e+00> : vector<1xf32>
    %reduce_sum3A_34 = vector.multi_reduction <add>, %reduce_sum3A_32, %reduce_sum3A_33 [1, 2] : vector<1x1x8192xf32> to vector<1xf32>
    %reduce_sum3A_35 = vector.shape_cast %reduce_sum3A_34 : vector<1xf32> to vector<1x1x1xf32>
    %reduce_sum3A_36 = vector.extract %reduce_sum3A_35[0, 0, 0] : f32 from vector<1x1x1xf32>
    %add3A_37 = arith.addf %mul3A_28, %reduce_sum3A_36 : f32
    %swap3A_38 = arith.constant 0 : index
    %swap3A_39 = memref.load %arg6[%swap3A_38] : memref<1xf32, #tpu.memory_space<smem>>
    memref.store %max3A, %arg6[%swap3A_38] : memref<1xf32, #tpu.memory_space<smem>>
    %swap3A_40 = arith.constant 0 : index
    %swap3A_41 = memref.load %arg7[%swap3A_40] : memref<1xf32, #tpu.memory_space<smem>>
    memref.store %add3A_37, %arg7[%swap3A_40] : memref<1xf32, #tpu.memory_space<smem>>
    %log3A = math.log %add3A_37 : f32
    %add3A_42 = arith.addf %max3A, %log3A : f32
    %broadcast_in_dim3A_43 = vector.broadcast %add3A_42 : f32 to vector<1x1xf32>
    %swap3A_44 = arith.constant 0 : index
    %swap3A_45 = arith.constant 0 : index
    %swap3A_46 = vector.load %arg5[%swap3A_44, %swap3A_45] : memref<1x1xf32, #tpu.memory_space<vmem>>, vector<1x1xf32>
    tpu.vector_store %arg5[%swap3A_44, %swap3A_45], %broadcast_in_dim3A_43 {strides = array<i32>} : memref<1x1xf32, #tpu.memory_space<vmem>>, vector<1x1xf32>,
    return
  }
  func.func @transform_0(%arg0: i32) -> (i32, i32) {
    %c0_i32 = arith.constant 0 : i32
    %c0_i32_0 = arith.constant 0 : i32
    %c0_i32_1 = arith.constant 0 : i32
    return %c0_i32, %c0_i32_0 : i32, i32
  }
  func.func @transform_1(%arg0: i32) -> (i32, i32) {
    %c0_i32 = arith.constant 0 : i32
    %c0_i32_0 = arith.constant 0 : i32
    return %arg0, %c0_i32 : i32, i32
  }
  func.func @transform_2(%arg0: i32) -> (i32, i32) {
    %c0_i32 = arith.constant 0 : i32
    %c0_i32_0 = arith.constant 0 : i32
    return %c0_i32, %arg0 : i32, i32
  }
  func.func @transform_3(%arg0: i32) -> (i32, i32) {
    %c0_i32 = arith.constant 0 : i32
    %c0_i32_0 = arith.constant 0 : i32
    return %c0_i32, %arg0 : i32, i32
  }
  func.func @transform_4(%arg0: i32) -> (i32, i32) {
    %c0_i32 = arith.constant 0 : i32
    %c0_i32_0 = arith.constant 0 : i32
    %c0_i32_1 = arith.constant 0 : i32
    return %c0_i32, %c0_i32_0 : i32, i32
  }
}

module attributes {stable_mosaic.version = 14 : i64} {
  func.func @_normalize_body(%arg0: memref<1x100000xf32, #tpu.memory_space<vmem>>, %arg1: memref<1x1xf32, #tpu.memory_space<vmem>>, %arg2: memref<1x100000xf32, #tpu.memory_space<vmem>>) attributes {dimension_semantics = [], scalar_prefetch = 0 : i64, scratch_operands = 0 : i64, tpu.core_type = #tpu.core_type<tc>} {
    %get3A = arith.constant 0 : index
    %get3A_0 = arith.constant 0 : index
    %get3A_1 = vector.load %arg0[%get3A, %get3A_0] : memref<1x100000xf32, #tpu.memory_space<vmem>>, vector<1x100000xf32>
    %get3A_2 = arith.constant 0 : index
    %get3A_3 = arith.constant 0 : index
    %get3A_4 = vector.load %arg1[%get3A_2, %get3A_3] : memref<1x1xf32, #tpu.memory_space<vmem>>, vector<1x1xf32>
    %get3A_5 = vector.extract %get3A_4[0, 0] : f32 from vector<1x1xf32>
    %sub3A = vector.broadcast %get3A_5 : f32 to vector<1x100000xf32>
    %sub3A_6 = arith.subf %get3A_1, %sub3A : vector<1x100000xf32>
    %swap3A = arith.constant 0 : index
    %swap3A_7 = arith.constant 0 : index
    %swap3A_8 = vector.load %arg2[%swap3A, %swap3A_7] : memref<1x100000xf32, #tpu.memory_space<vmem>>, vector<1x100000xf32>
    tpu.vector_store %arg2[%swap3A, %swap3A_7], %sub3A_6 {strides = array<i32>} : memref<1x100000xf32, #tpu.memory_space<vmem>>, vector<1x100000xf32>,
    return
  }
}

</mosaic_0001>

<sc_bundles>
// kernel: kernel.5.cloned.1.call-start
scs
__scs_entry_jumppad:
0x0: {  	(pc) =	sbr.rel $0x88, $3  }
0x1: {  	(tag) =	ssettag $0x0;
	lr =	simm.s32 $0x1  }
0x2: {  	[smem:$0x3F9D] =	sst lr;
	_ =	strace $0xD0000000  }
0x3: {  	_ = 	snop  }
0x4: {  	_ = 	snop  }
0x5: {  	_ = 	snop  }
0x6: {  	_ = 	snop  }
0x7: {  	_ = 	snop  }
__scs_overlays_trampoline_lowered:
0x8: {  	[smem:$0x3FAC] =	sst s0  }
0x9: {  	[smem:$0x3FAD] =	sst s1  }
0xa: {  	[smem:$0x3FAE] =	sst s2  }
0xb: {  	[smem:$0x3FAF] =	sst s3  }
0xc: {  	[smem:$0x3FB0] =	sst s4  }
0xd: {  	[smem:$0x3FB1] =	sst s5  }
0xe: {  	[smem:$0x3FB2] =	sst s6  }
0xf: {  	[smem:$0x3FB3] =	sst s7  }
0x10: {  	[smem:$0x3FB4] =	sst s8  }
0x11: {  	[smem:$0x3FB5] =	sst s9;
	s0 =	simm.s32 @!p0 $0x0  }
0x12: {  	s1 =	sld [smem:$0x3F9B];
	s0 =	simm.s32 @p0 $0x1  }
0x13: {  	[smem:$0x3FB6] =	sst s0;
	s0 =	simm.s32 @!p1 $0x0  }
0x14: {  	s2 =	sld [smem:$0x3F9A];
	s0 =	simm.s32 @p1 $0x1  }
0x15: {  	[smem:$0x3FB7] =	sst s0;
	s0 =	simm.s32 @!p2 $0x0  }
0x16: {  	s3 =	sld [smem:$0x3FDB];
	s0 =	simm.s32 @p2 $0x1  }
0x17: {  	s4 =	simm.s32 $0x1BF5;
	[smem:$0x3FB9] =	sst s0  }
0x18: {  	s0 =	sld [smem:$0x3F9C];
	_ =	swait.ge [sflag:s4], $0x0  }
0x19: {  	s7 =	sld [smem:$0x3F9D]  }
0x1a: {  	s8 =	sadd.s32 $0xFFFFE003, lr  }
0x1b: {  	s9 =	sadd.s32 $0xFFFFFEF7, lr;
	s5 =	simm.s32 $0xFFFFFFFF;
	p2 =	slt.u32 s8, $0xFFFFF086  }
0x1c: {  	p1 =	slt.u32 s9, $0xF7A;
	s5 =	simm.s32 @!p2 $0x0  }
0x1d: {  	s5 =	simm.s32 @p1 $0x1;
	p0 =	seq.s32 s7, s2  }
0x1e: {  	s7 =	smul.u32 @!p0 $0xF7A, s2;
	p2 =	seq.s32 @!p0 s5, $0x0  }
0x1f: {  	s9 =	smul.u32 $0xF7A, s1;
	s8 =	simm.s32 @!p0 $0x1BF5;
	p2 =	por !p2, p0  }
0x20: {  	[sflag:s8] =	ssyncset.s32 @!p0 $0xFFFFF086;
	s6 =	sadd.s32 @!p0 s3, s7;
	s7 =	simm.s32 @!p0 $0x108  }
0x21: {  	s3 =	sadd.s32 s3, s9;
	s6 =	sadd.s32 @!p0 $0x88, s6;
	s7 =	simm.s32 @p2 $0x1082  }
0x22: {  	[simem:s7], [sflag:s8] =	dma.local @!p0 [hbm:s6], $0xF7A  }
0x23: {  	s9 =	sor.u32 $0xD0000000, s2;
	s6 =	simm.s32 $0x108;
	_ =	swait.ge @!p0 [sflag:s8], $0x0  }
0x24: {  	s3 =	sadd.s32 $0x88, s3;
	s6 =	simm.s32 @!p1 $0x1082;
	[sflag:s4] =	ssyncset.s32 $0xFFFFF086  }
0x25: {  	[simem:s6], [sflag:s4] =	dma.local [hbm:s3], $0xF7A  }
0x26: {  	[smem:$0x3F9D] =	sst s1;
	(tag) =	ssettag s2;
	_ =	strace s9  }
0x27: {  	s1 =	sld [smem:$0x3FAD]  }
0x28: {  	s2 =	sld [smem:$0x3FAE]  }
0x29: {  	s4 =	sld [smem:$0x3FB0]  }
0x2a: {  	p0 =	seq.s32 s5, $0x0;
	s5 =	sld [smem:$0x3FB1]  }
0x2b: {  	s6 =	sld [smem:$0x3FB2]  }
0x2c: {  	s7 =	sld [smem:$0x3FB3]  }
0x2d: {  	s3 =	simm.s32 $0x108;
	s8 =	sld [smem:$0x3FB4]  }
0x2e: {  	s3 =	simm.s32 @!p0 $0x1082;
	s9 =	sld [smem:$0x3FB5]  }
0x2f: {  	lr =	sadd.s32 s0, s3;
	s0 =	sld [smem:$0x3FAC]  }
0x30: {  	s3 =	sld [smem:$0x3FAF]  }
0x31: {  	[smem:$0x3FB8] =	sst s10  }
0x32: {  	s10 =	sld [smem:$0x3FB6];
	_ =	sdelay $0x3  }
0x33: {  	p0 =	seq.s32 s10, $0x1;
	s10 =	sld [smem:$0x3FB8];
	_ =	sdelay $0x3  }
0x34: {  	[smem:$0x3FB8] =	sst s10  }
0x35: {  	s10 =	sld [smem:$0x3FB7];
	_ =	sdelay $0x3  }
0x36: {  	p1 =	seq.s32 s10, $0x1;
	s10 =	sld [smem:$0x3FB8];
	_ =	sdelay $0x3  }
0x37: {  	[smem:$0x3FB8] =	sst s10  }
0x38: {  	s10 =	sld [smem:$0x3FB9]  }
0x39: {  	_ = 	snop;
	(pc) =	sbr.ind lr, $3  }
0x3a: {  	_ = 	snop  }
0x3b: {  	_ = 	snop  }
0x3c: {  	p2 =	seq.s32 s10, $0x1;
	s10 =	sld [smem:$0x3FB8]  }
0x3d: {  	_ =	shalt  }
0x3e: {  	_ =	shalt  }
0x3f: {  	_ =	shalt  }
0x40: {  	_ =	shalt  }
0x41: {  	_ =	shalt  }
0x42: {  	_ =	shalt  }
0x43: {  	_ =	shalt  }
0x44: {  	_ =	shalt  }
0x45: {  	_ =	shalt  }
0x46: {  	_ =	shalt  }
0x47: {  	_ =	shalt  }
0x48: {  	_ =	shalt  }
0x49: {  	_ =	shalt  }
0x4a: {  	_ =	shalt  }
0x4b: {  	_ =	shalt  }
0x4c: {  	_ =	shalt  }
0x4d: {  	_ =	shalt  }
0x4e: {  	_ =	shalt  }
0x4f: {  	_ =	shalt  }
0x50: {  	_ =	shalt  }
0x51: {  	_ =	shalt  }
0x52: {  	_ =	shalt  }
0x53: {  	_ =	shalt  }
0x54: {  	_ =	shalt  }
0x55: {  	_ =	shalt  }
0x56: {  	_ =	shalt  }
0x57: {  	_ =	shalt  }
0x58: {  	_ =	shalt  }
0x59: {  	_ =	shalt  }
0x5a: {  	_ =	shalt  }
0x5b: {  	_ =	shalt  }
0x5c: {  	_ =	shalt  }
0x5d: {  	_ =	shalt  }
0x5e: {  	_ =	shalt  }
0x5f: {  	_ =	shalt  }
0x60: {  	_ =	shalt  }
0x61: {  	_ =	shalt  }
0x62: {  	_ =	shalt  }
0x63: {  	_ =	shalt  }
0x64: {  	_ =	shalt  }
0x65: {  	_ =	shalt  }
0x66: {  	_ =	shalt  }
0x67: {  	_ =	shalt  }
0x68: {  	_ =	shalt  }
0x69: {  	_ =	shalt  }
0x6a: {  	_ =	shalt  }
0x6b: {  	_ =	shalt  }
0x6c: {  	_ =	shalt  }
0x6d: {  	_ =	shalt  }
0x6e: {  	_ =	shalt  }
0x6f: {  	_ =	shalt  }
0x70: {  	_ =	shalt  }
0x71: {  	_ =	shalt  }
0x72: {  	_ =	shalt  }
0x73: {  	_ =	shalt  }
0x74: {  	_ =	shalt  }
0x75: {  	_ =	shalt  }
0x76: {  	_ =	shalt  }
0x77: {  	_ =	shalt  }
0x78: {  	_ =	shalt  }
0x79: {  	_ =	shalt  }
0x7a: {  	_ =	shalt  }
0x7b: {  	_ =	shalt  }
0x7c: {  	_ =	shalt  }
0x7d: {  	_ =	shalt  }
0x7e: {  	_ =	shalt  }
0x7f: {  	_ =	shalt  }
0x80: {  	_ =	shalt  }
0x81: {  	_ =	shalt  }
0x82: {  	_ =	shalt  }
0x83: {  	_ =	shalt  }
0x84: {  	_ =	shalt  }
0x85: {  	_ =	shalt  }
0x86: {  	_ =	shalt  }
0x87: {  	_ =	shalt  }
.Lfunc_end0:
.L_simem_size_0:
called_computation_lowered:
.L_overlay_start_0:
0x88: {  	s2 =	sld [smem:$0x3FD9]  }
0x89: {  	s3 =	sld [smem:$0x3FFE];
	_ =	sdelay $0x1  }
0x8a: {  	s1 =	srdreg.scid  }
0x8b: {  	s0 =	sand.u32 $0x1, s1  }
0x8c: {  	s17 =	sshll.u32 s0, $0xA;
	s2 =	sadd.s32 s3, s2  }
0x8d: {  	s2 =	sadd.s32 s2, s17  }
0x8e: {  	[smem:$0x3FC4] =	sst s2  }
0x8f: {  	_ = 	snop  }
0x90: {  	s2 =	sld [smem:$0x3FC9]  }
0x91: {  	s18 =	sld [smem:$0x3FD0];
	(tm) =	ssettm $0x1  }
0x92: {  	s4 =	sld [smem:$0x3FFB];
	_ =	sdelay $0x3  }
0x93: {  	_ =	strace s4  }
0x94: {  	s4 =	sld [smem:$0x3FFC];
	_ =	sdelay $0x3  }
0x95: {  	_ =	strace s4  }
0x96: {  	s4 =	sld [smem:$0x3FFD];
	_ =	sdelay $0x3  }
0x97: {  	_ =	strace s4  }
0x98: {  	_ =	strace $0x8FFFFFFF  }
0x99: {  	s19 =	sld [smem:$0x3FDB];
	_ =	sdelay $0x1  }
0x9a: {  	s5 =	simm.s32 $_scs_section_size  }
0x9b: {  	s6 =	simm.s32 $_size__tile_overlayer_lowered;
	s7 =	simm.s32 $_tile_overlayer_lowered  }
0x9c: {  	s22 =	simm.s32 $0x1BFF;
	s21 =	sshll.u32 s7, $0x1;
	s4 =	sadd.s32 s5, s19  }
0x9d: {  	s8 =	simm.s32 $0x0;
	s20 =	sshll.u32 s6, $0x1;
	s6 =	sadd.s32 s21, s4  }
0x9e: {  	[timem:s8], [sflag:s22] =	dma.local [hbm:s6], s20  }
0x9f: {  	_ =	swait.ge [sflag:s22], s20  }
0xa0: {  	s5 =	ssub.s32 $0x0, s20;
	[sflag:s22] =	ssyncset.done $0x0  }
0xa1: {  	[sflag:s22] =	ssyncadd.s32 s5;
	_ =	sdelay $0x1  }
0xa2: {  	s23 =	simm.s32 $0x1B8B  }
0xa3: {  	_ =	swait.ge [sflag:s23], $0x1  }
0xa4: {  	[sflag:s23] =	ssyncset.done $0x0  }
0xa5: {  	s25 =	simm.s32 $0x1B8E;
	s24 =	sld [smem:$0x3FFE];
	[sflag:s23] =	ssyncadd.s32 $0xFFFFFFFF  }
0xa6: {  	s26 =	simm.s32 $execute0_lowered;
	[smem:$0x3FD2] =	sst s25  }
0xa7: {  	s6 =	sshll.u32 s26, $0x1;
	_ =	strace $0x80000046;
	[dreg:$0x1] =	wrdreg $0xFFFFFFFF  }
0xa8: {  	s28 =	simm.s32 $_size_execute0_lowered;
	s4 =	sadd.s32 s4, s6;
	[dreg:$0x0] =	wrdreg $0x0  }
0xa9: {  	s6 =	sshll.u32 s28, $0x1;
	[dreg:$0x2] =	wrdreg s4  }
0xaa: {  	[dreg:$0x3] =	wrdreg s6  }
0xab: {  	[dreg:$0x4] =	wrdreg $0xC0  }
0xac: {  	_ =	task [dreg:s8], $0x5FFFF  }
0xad: {  	[dreg:$0x1] =	wrdreg $0xFFFFFFFF  }
0xae: {  	[dreg:$0x0] =	wrdreg $0x60  }
0xaf: {  	[dreg:$0x2] =	wrdreg s24  }
0xb0: {  	[dreg:$0x3] =	wrdreg s2  }
0xb1: {  	[dreg:$0x4] =	wrdreg s18  }
0xb2: {  	[dreg:$0x5] =	wrdreg $0x9  }
0xb3: {  	_ =	task.clear_ibuf [dreg:s8], $0x6FFFF;
	_ =	strace $0x90000046  }
0xb4: {  	s29 =	simm.s32 $0x9;
	_ =	strace $0x80000048  }
0xb5: {  	_ =	swait.ge [sflag:s29], $0x1  }
0xb6: {  	[sflag:s29] =	ssyncadd.s32 $0xFFFFFFFF  }
0xb7: {  	_ =	strace $0x90000048  }
0xb8: {  	_ =	sfence  }
0xb9: {  	s30 =	sld [smem:$0x0];
	_ =	sdelay $0x2  }
0xba: {  	s31 =	sshll.u32 s1, $0xD;
	s1 =	sshrl.u32 s1, $0x2  }
0xbb: {  	s3 =	sand.u32 $0x4000, s31;
	s1 =	sadd.s32 s1, s30  }
0xbc: {  	s0 =	sor.u32 s3, s0;
	s1 =	sshll.u32 s1, $0x11  }
0xbd: {  	s0 =	sor.u32 s1, s0  }
0xbe: {  	s0 =	sadd.s32 $0x8F2B, s0  }
0xbf: {  	[sflag:s0] =	ssyncadd.remote.s32 $0x1  }
0xc0: {  	_ =	sfence.sel $0xFFFF  }
0xc1: {  	[dreg:$0x0] =	wrdreg $0xFFFFFFFF;
	(pc) =	sbr.abs _section_cstart, $3  }
0xc2: {  	[dreg:$0x1] =	wrdreg $0xFFFFFFFF  }
0xc3: {  	_ =	task.clear_ibuf [dreg:s8], $0x2FFFF;
	_ =	strace $0x9FFFFFFF  }
0xc4: {  	(tm) =	ssettm $0x7FFFFFFF  }
0xc5: {  	_ =	shalt  }
tec
execute0_lowered:
.L_overlay_start_1:
0x0: {  	(tag) =	ssettag $0x1  }
0x1: {  	s3 =	rddreg [dreg:$0x0]  }
0x2: {  	s4 =	rddreg [dreg:$0x1]  }
0x3: {  	s5 =	rddreg [dreg:$0x2]  }
0x4: {  	s0 =	rddreg [dreg:$0x3];
	s2 =	simm.s32 $0x0  }
0x5: {  	s6 =	srdreg.scid;
	s1 =	stileid.u32;
	s10 =	simm.s32 $0x208  }
0x6: {  	[smem:$0x7FF] =	sst s2;
	s6 =	sand.u32 $0x1, s6;
	s7 =	sshll.u32 s1, $0x1  }
.Ltmp0:
0x7: {  	s3 =	sadd.s32 $0x188E00, s3;
	s8 =	ssub.s32 $0x2, s6;
	(pc) =	sbr.rel .LBB2_1-.Ltmp0, $4  }
0x8: {  	_ =	strace $0x80000047;
	s7 =	sor.u32 s6, s7;
	s31 =	sshrl.u32 s8, $0x1  }
0x9: {  	s9 =	sshll.u32 s7, $0x3;
	s4 =	sadd.s32 s4, s7;
	p0 =	sgt.u32 s7, $0x18  }
0xa: {  	s7 =	simm.s32 $0x2;
	s6 =	ssub.s32 s8, s31;
	s5 =	sadd.s32 s5, s9  }
0xb: {  	s8 =	simm.s32 $0x8;
	s9 =	simm.s32 $0x1;
	s6 =	smax.u32 s6, $0x1  }
.LBB2_3:
0xc: {  	v0 =	vimm.f32 $0.0e+00  }
0xd: {  	[tilespmem:$0x208] =	vst v0  }
0xe: {  	[tilespmem:$0x218] =	vst v0  }
0xf: {  	[tilespmem:$0x228] =	vst v0  }
.LBB2_4:
0x10: {  	s6 =	sadd.s32 $0xFFFFFFFF, s6  }
0x11: {  	p1 =	sne.s32 s6, $0x0  }
.Ltmp1:
0x12: {  	[tilespmem:$0x238] =	vst v0;
	(pc) =	sbr.rel @!p1 .LBB2_5-.Ltmp1, $4  }
0x13: {  	[hbm4b:s5+s2] =	stream.linear.scatter [tilespmem:s10], [sflag:$0x2], $0x40, $0x38;
	[tilespmem:$0x248] =	vst v63  }
0x14: {  	_ =	swait.ge [sflag:s7], $0x40  }
0x15: {  	[sflag:s7] =	ssyncset.done $0x0  }
0x16: {  	[sflag:s7] =	ssyncadd.s32 $0xFFFFFFC0  }
.LBB2_1:
.Ltmp2:
0x17: {  	(pc) =	sbr.rel @p0 .LBB2_3-.Ltmp2, $1  }
0x18: {  	_ =	sdelay $0x3  }
0x19: {  	[tilespmem:s2], [sflag:$0x2] =	stream.linear.gather [hbm4b:s4+s2], $0x8, $0x38;
	[tilespmem:$0x248] =	vst v63  }
0x1a: {  	_ =	swait.ge [sflag:s7], $0x8  }
0x1b: {  	[sflag:s7] =	ssyncset.done $0x0  }
0x1c: {  	[sflag:s7] =	ssyncadd.s32 $0xFFFFFFF8  }
0x1d: {  	[tilespmem:s8], [sflag:$0x1] =	stream.indirect.gather [hbm4b:s3+s8], $0x40, s2, s8, $0xb8;
	[tilespmem:$0x248] =	vst v63  }
0x1e: {  	_ =	swait.ge [sflag:s9], $0x200  }
0x1f: {  	[sflag:s9] =	ssyncset.done $0x0  }
0x20: {  	[sflag:s9] =	ssyncadd.s32 $0xFFFFFE00  }
0x21: {  	v0 =	vld [tilespmem:$0x8]  }
0x22: {  	v1 =	vld [tilespmem:$0x48]  }
0x23: {  	v2 =	vld [tilespmem:$0x88]  }
0x24: {  	v3 =	vld [tilespmem:$0xC8]  }
0x25: {  	v4 =	vld [tilespmem:$0x108]  }
0x26: {  	v5 =	vld [tilespmem:$0x148]  }
0x27: {  	v6 =	vld [tilespmem:$0x188]  }
0x28: {  	v7 =	vld [tilespmem:$0x1C8]  }
0x29: {  	v8 =	vld [tilespmem:$0x18]  }
0x2a: {  	v9 =	vld [tilespmem:$0x58]  }
0x2b: {  	v10 =	vld [tilespmem:$0x98]  }
0x2c: {  	v11 =	vld [tilespmem:$0xD8]  }
0x2d: {  	v12 =	vld [tilespmem:$0x118]  }
0x2e: {  	v13 =	vld [tilespmem:$0x158]  }
0x2f: {  	v14 =	vld [tilespmem:$0x198]  }
0x30: {  	v16 =	vld [tilespmem:$0x28]  }
0x31: {  	v17 =	vld [tilespmem:$0x68]  }
0x32: {  	v15 =	vld [tilespmem:$0x1D8]  }
0x33: {  	v18 =	vld [tilespmem:$0xA8]  }
0x34: {  	v19 =	vld [tilespmem:$0x38]  }
0x35: {  	v0 =	vadd.f32 v1, v0;
	v1 =	vld [tilespmem:$0x78]  }
0x36: {  	v20 =	vld [tilespmem:$0xE8];
	v55 =	vadd.f32 v17, v16  }
0x37: {  	v54 =	vld [tilespmem:$0xB8];
	v0 =	vadd.f32 v2, v0;
	v2 =	vadd.f32 v9, v8  }
0x38: {  	v56 =	vld [tilespmem:$0x128];
	v9 =	vadd.f32 v18, v55  }
0x39: {  	v0 =	vadd.f32 v3, v0;
	v2 =	vadd.f32 v10, v2;
	v3 =	vld [tilespmem:$0xF8]  }
0x3a: {  	v57 =	vld [tilespmem:$0x168];
	v1 =	vadd.f32 v1, v19  }
0x3b: {  	v58 =	vld [tilespmem:$0x138];
	v9 =	vadd.f32 v20, v9;
	v2 =	vadd.f32 v11, v2  }
0x3c: {  	v59 =	vld [tilespmem:$0x1A8];
	v0 =	vadd.f32 v4, v0;
	v1 =	vadd.f32 v54, v1  }
0x3d: {  	v60 =	vld [tilespmem:$0x178];
	v9 =	vadd.f32 v56, v9;
	v2 =	vadd.f32 v12, v2  }
0x3e: {  	v61 =	vld [tilespmem:$0x1B8];
	v0 =	vadd.f32 v5, v0;
	v1 =	vadd.f32 v3, v1  }
0x3f: {  	v9 =	vadd.f32 v57, v9;
	v3 =	vld [tilespmem:$0x1E8];
	v2 =	vadd.f32 v13, v2  }
0x40: {  	v0 =	vadd.f32 v6, v0;
	v1 =	vadd.f32 v58, v1  }
0x41: {  	v62 =	vld [tilespmem:$0x1F8];
	v63 =	vadd.f32 v59, v9;
	v2 =	vadd.f32 v14, v2  }
.Ltmp3:
0x42: {  	v0 =	vadd.f32 v7, v0;
	v1 =	vadd.f32 v60, v1;
	(pc) =	sbr.rel .LBB2_4-.Ltmp3, $4  }
0x43: {  	v2 =	vadd.f32 v15, v2  }
0x44: {  	[tilespmem:$0x208] =	vst v0;
	v0 =	vadd.f32 v3, v63;
	v1 =	vadd.f32 v61, v1  }
0x45: {  	[tilespmem:$0x218] =	vst v2  }
0x46: {  	[tilespmem:$0x228] =	vst v0;
	v0 =	vadd.f32 v62, v1  }
.LBB2_5:
0x47: {  	_ =	sfence.sel $0x180000  }
0x48: {  	[bflag:$0x0] =	sbarrier.arrive $0xFFFF  }
0x49: {  	p0 =	sne.s32 s1, $0x0;
	_ =	strace $0x90000047  }
0x4a: {  	s0 =	sadd.s32 @!p0 $0x100000, s0;
	[bflag:$0x2] =	sbarrier.arrive $0xFFFF  }
0x4b: {  	[sflag:s0] =	ssyncadd.tile.s32 @!p0 $0x1;
	_ =	shalt  }
.Lfunc_end2:
_tile_overlayer_lowered:
.L_overlay_start_2:
0x4c: {  	(tag) =	ssettag $0x2  }
0x4d: {  	s0 =	rddreg [dreg:$0x0];
	s2 =	stileid.u32  }
0x4e: {  	s1 =	rddreg [dreg:$0x1];
	p0 =	sne.s32 s2, $0x0  }
0x4f: {  	s3 =	rddreg [dreg:$0x2];
	[bflag:$0x3] =	sbarrier.arrive $0xFFFF;
	s2 =	simm.s32 @!p0 $0x1C02  }
0x50: {  	[timem:s3], [sflag:s2] =	dma.local @!p0 [hbm:s0], s1  }
0x51: {  	s0 =	simm.s32 @!p0 $0x2  }
0x52: {  	_ =	swait.ge @!p0 [sflag:s0], s1  }
0x53: {  	s1 =	ssub.s32 @!p0 $0x0, s1;
	[sflag:s0] =	ssyncset.done @!p0 $0x0  }
0x54: {  	[sflag:s0] =	ssyncadd.s32 @!p0 s1  }
0x55: {  	[bflag:$0x3] =	sbarrier.arrive $0xFFFF  }
0x56: {  	_ =	shalt  }

</sc_bundles>
